<compile_context>
chip_gen: v7x
topology: tpu7x:2x2x1
jax: 0.10.2.dev20260603
libtpu: 0.0.44.dev20260713+nightly
codegen_flags: <defaults>
</compile_context>

<pallas_src>
import functools

import jax
import jax.numpy as jnp
from jax import lax
from jax.experimental import pallas as pl
from jax.experimental.pallas import tpu as pltpu
from jax.experimental.pallas import tpu_sc as plsc

_NUM_CORES = 2
_NUM_SUBCORES = 16
_NUM_WORKERS = _NUM_CORES * _NUM_SUBCORES

_CHUNK = 32
_NBUF = 3


def _make_copy_kernel(out_rows, dim, src_start):
    rows_per_w = out_rows // _NUM_WORKERS
    nchunks = rows_per_w // _CHUNK
    mesh = plsc.VectorSubcoreMesh(core_axis_name="c", subcore_axis_name="s")

    scratch = [
        pltpu.VMEM_SHARED((_NUM_SUBCORES, _NBUF, _CHUNK, dim), jnp.float32)
    ]
    scratch += [pltpu.SemaphoreType.DMA for _ in range(2 * _NBUF)]

    @functools.partial(
        pl.kernel,
        mesh=mesh,
        out_type=jax.ShapeDtypeStruct((out_rows, dim), jnp.float32),
        scratch_types=scratch,
    )
    def copy_kernel(table_hbm, out_hbm, *scratch_refs):
        shared = scratch_refs[0]
        in_sems = scratch_refs[1 : 1 + _NBUF]
        out_sems = scratch_refs[1 + _NBUF :]

        sid = lax.axis_index("s")
        wid = sid * _NUM_CORES + lax.axis_index("c")
        base = wid * rows_per_w

        def in_copy(c):
            b = c % _NBUF
            return pltpu.make_async_copy(
                table_hbm.at[pl.ds(src_start + base + c * _CHUNK, _CHUNK)],
                shared.at[sid, b],
                in_sems[b],
            )

        def out_copy(c):
            b = c % _NBUF
            return pltpu.make_async_copy(
                shared.at[sid, b],
                out_hbm.at[pl.ds(base + c * _CHUNK, _CHUNK)],
                out_sems[b],
            )

        in_copy(0).start()
        in_copy(1).start()
        for c in range(nchunks):
            in_copy(c).wait()
            out_copy(c).start()
            nxt = c + 2
            if nxt < nchunks:
                if nxt - _NBUF >= 0:
                    out_copy(nxt - _NBUF).wait()
                in_copy(nxt).start()
        for c in range(max(0, nchunks - _NBUF), nchunks):
            out_copy(c).wait()

    return copy_kernel


def kernel(input, weights):
    _, seq_len = input.shape
    num_emb, dim = weights.shape
    out_rows = 2 * seq_len
    src_start = num_emb // 2 - seq_len
    assert 0 <= src_start and src_start + out_rows <= num_emb
    assert out_rows % (_NUM_WORKERS * _CHUNK) == 0
    return _make_copy_kernel(out_rows, dim, src_start)(weights)

# --- scband reference (transcript-rebuilt; emitter-appended) ---
"""Pipeline reference for scband-relative-embedding-1400159338968 (READ-ONLY COPY).

The authoritative reference and input builder live on the scoring server;
editing this copy changes nothing except your own understanding.
"""

import jax, jax.numpy as jnp
import numpy as np

BSZ = 4
SEQ = 4096
EMB_DIM = 1024
PAD_IDX = 0
NUM_EMB = 8192  # 2 * (padding_idx + seq_len); origin_shift = NUM_EMB // 2


def _sinusoidal_embedding(num_embeddings, embedding_dim, padding_idx):
    # Faithful port of fairseq-style SinusoidalPositionalEmbedding.get_embedding
    half_dim = embedding_dim // 2
    emb = np.log(10000.0) / (half_dim - 1)
    emb = np.exp(np.arange(half_dim, dtype=np.float32) * -emb)
    emb = np.arange(num_embeddings, dtype=np.float32)[:, None] * emb[None, :]
    emb = np.concatenate([np.sin(emb), np.cos(emb)], axis=1).reshape(num_embeddings, -1)
    if embedding_dim % 2 == 1:
        emb = np.concatenate([emb, np.zeros((num_embeddings, 1), dtype=np.float32)], axis=1)
    if padding_idx is not None:
        emb[padding_idx, :] = 0.0
    return jnp.asarray(emb, dtype=jnp.float32)


def setup_inputs(seed: int = 0) -> dict:
    key = jax.random.key(seed)
    inp = jax.random.randint(key, (BSZ, SEQ), 0, 32000)  # token ids; only the shape is used by forward
    weights = _sinusoidal_embedding(NUM_EMB, EMB_DIM, PAD_IDX)
    return {"input": inp, "weights": weights}


def reference(input, weights):
    bsz, seq_len = input.shape
    origin_shift = weights.shape[0] // 2
    positions = jnp.arange(-seq_len, seq_len, dtype=jnp.int32) + origin_shift
    embed = jnp.take(weights, positions, axis=0)
    # original module calls .detach() on the gathered embeddings
    return jax.lax.stop_gradient(embed)

if __name__ == "__main__":
    import jax
    _d = setup_inputs()
    print(jax.jit(kernel)(*tuple(_d.values())))

</pallas_src>

<mosaic_0001>
#map = affine_map<(d0, d1) -> (0, 0)>
module attributes {stable_mosaic.version = 14 : i64} {
  func.func @copy_kernel(%arg0: i32, %arg1: i32, %arg2: memref<8192x1024xf32, #tpu.memory_space<hbm>>, %arg3: memref<8192x1024xf32, #tpu.memory_space<hbm>>, %arg4: memref<16x3x32x1024xf32, #tpu.memory_space<vmem_shared>>, %arg5: memref<!tpu.dma_semaphore, #tpu.memory_space<semaphore_mem>>, %arg6: memref<!tpu.dma_semaphore, #tpu.memory_space<semaphore_mem>>, %arg7: memref<!tpu.dma_semaphore, #tpu.memory_space<semaphore_mem>>, %arg8: memref<!tpu.dma_semaphore, #tpu.memory_space<semaphore_mem>>, %arg9: memref<!tpu.dma_semaphore, #tpu.memory_space<semaphore_mem>>, %arg10: memref<!tpu.dma_semaphore, #tpu.memory_space<semaphore_mem>>) attributes {dimension_semantics = [#tpu.dimension_semantics<core_parallel>, #tpu.dimension_semantics<subcore_parallel>], iteration_bounds = array<i64: 2, 16>, scalar_prefetch = 0 : i64, scratch_operands = 7 : i64, tpu.core_type = #tpu.core_type<sc_vector_subcore>, window_params = [{transform_indices = #map}, {transform_indices = #map}]} {
    %mul3A = arith.constant 2 : i32
    %mul3A_0 = arith.muli %arg1, %mul3A : i32
    %add3A = arith.addi %mul3A_0, %arg0 : i32
    %mul3A_1 = arith.constant 256 : i32
    %mul3A_2 = arith.muli %add3A, %mul3A_1 : i32
    %add3A_3 = arith.constant 0 : i32
    %add3A_4 = arith.addi %add3A_3, %mul3A_2 : i32
    %add3A_5 = arith.constant 0 : i32
    %add3A_6 = arith.addi %add3A_4, %add3A_5 : i32
    %dma_start3A = arith.constant 0 : i32
    %dma_start3A_7 = arith.constant 0 : i32
    %dma_start3A_8 = arith.constant 0 : i32
    %dma_start3A_9 = tpu.memref_slice %arg4[%arg1, %dma_start3A, %dma_start3A_7, %dma_start3A_8] : memref<16x3x32x1024xf32, #tpu.memory_space<vmem_shared>> -> memref<1x1x32x1024xf32, #tpu.memory_space<vmem_shared>>
    %dma_start3A_10 = tpu.memref_squeeze %dma_start3A_9 : memref<1x1x32x1024xf32, #tpu.memory_space<vmem_shared>> -> memref<32x1024xf32, #tpu.memory_space<vmem_shared>>
    %dma_start3A_11 = arith.constant 0 : i32
    %dma_start3A_12 = tpu.memref_slice %arg2[%add3A_6, %dma_start3A_11] : memref<8192x1024xf32, #tpu.memory_space<hbm>> -> memref<32x1024xf32, #tpu.memory_space<hbm>>
    tpu.enqueue_dma source(%dma_start3A_12 : memref<32x1024xf32, #tpu.memory_space<hbm>>) target(%dma_start3A_10 : memref<32x1024xf32, #tpu.memory_space<vmem_shared>>) target_semaphore(%arg5 : memref<!tpu.dma_semaphore, #tpu.memory_space<semaphore_mem>>)
    %add3A_13 = arith.constant 0 : i32
    %add3A_14 = arith.addi %add3A_13, %mul3A_2 : i32
    %add3A_15 = arith.constant 32 : i32
    %add3A_16 = arith.addi %add3A_14, %add3A_15 : i32
    %dma_start3A_17 = arith.constant 1 : i32
    %dma_start3A_18 = arith.constant 0 : i32
    %dma_start3A_19 = arith.constant 0 : i32
    %dma_start3A_20 = tpu.memref_slice %arg4[%arg1, %dma_start3A_17, %dma_start3A_18, %dma_start3A_19] : memref<16x3x32x1024xf32, #tpu.memory_space<vmem_shared>> -> memref<1x1x32x1024xf32, #tpu.memory_space<vmem_shared>>
    %dma_start3A_21 = tpu.memref_squeeze %dma_start3A_20 : memref<1x1x32x1024xf32, #tpu.memory_space<vmem_shared>> -> memref<32x1024xf32, #tpu.memory_space<vmem_shared>>
    %dma_start3A_22 = arith.constant 0 : i32
    %dma_start3A_23 = tpu.memref_slice %arg2[%add3A_16, %dma_start3A_22] : memref<8192x1024xf32, #tpu.memory_space<hbm>> -> memref<32x1024xf32, #tpu.memory_space<hbm>>
    tpu.enqueue_dma source(%dma_start3A_23 : memref<32x1024xf32, #tpu.memory_space<hbm>>) target(%dma_start3A_21 : memref<32x1024xf32, #tpu.memory_space<vmem_shared>>) target_semaphore(%arg6 : memref<!tpu.dma_semaphore, #tpu.memory_space<semaphore_mem>>)
    %add3A_24 = arith.constant 0 : i32
    %add3A_25 = arith.addi %add3A_24, %mul3A_2 : i32
    %add3A_26 = arith.constant 0 : i32
    %add3A_27 = arith.addi %add3A_25, %add3A_26 : i32
    %dma_wait3A = arith.constant 0 : i32
    %dma_wait3A_28 = arith.constant 0 : i32
    %dma_wait3A_29 = arith.constant 0 : i32
    %dma_wait3A_30 = tpu.memref_slice %arg4[%arg1, %dma_wait3A, %dma_wait3A_28, %dma_wait3A_29] : memref<16x3x32x1024xf32, #tpu.memory_space<vmem_shared>> -> memref<1x1x32x1024xf32, #tpu.memory_space<vmem_shared>>
    %dma_wait3A_31 = tpu.memref_squeeze %dma_wait3A_30 : memref<1x1x32x1024xf32, #tpu.memory_space<vmem_shared>> -> memref<32x1024xf32, #tpu.memory_space<vmem_shared>>
    %dma_wait3A_32 = arith.constant 0 : i32
    %dma_wait3A_33 = tpu.memref_slice %arg2[%add3A_27, %dma_wait3A_32] : memref<8192x1024xf32, #tpu.memory_space<hbm>> -> memref<32x1024xf32, #tpu.memory_space<hbm>>
    tpu.wait_dma2 semaphore(%arg5 : memref<!tpu.dma_semaphore, #tpu.memory_space<semaphore_mem>>) src(%dma_wait3A_33 : memref<32x1024xf32, #tpu.memory_space<hbm>>) dst(%dma_wait3A_31 : memref<32x1024xf32, #tpu.memory_space<vmem_shared>>)
    %add3A_34 = arith.constant 0 : i32
    %add3A_35 = arith.addi %mul3A_2, %add3A_34 : i32
    %dma_start3A_36 = arith.constant 0 : i32
    %dma_start3A_37 = arith.constant 0 : i32
    %dma_start3A_38 = tpu.memref_slice %arg3[%add3A_35, %dma_start3A_37] : memref<8192x1024xf32, #tpu.memory_space<hbm>> -> memref<32x1024xf32, #tpu.memory_space<hbm>>
    %dma_start3A_39 = arith.constant 0 : i32
    %dma_start3A_40 = arith.constant 0 : i32
    %dma_start3A_41 = tpu.memref_slice %arg4[%arg1, %dma_start3A_36, %dma_start3A_39, %dma_start3A_40] : memref<16x3x32x1024xf32, #tpu.memory_space<vmem_shared>> -> memref<1x1x32x1024xf32, #tpu.memory_space<vmem_shared>>
    %dma_start3A_42 = tpu.memref_squeeze %dma_start3A_41 : memref<1x1x32x1024xf32, #tpu.memory_space<vmem_shared>> -> memref<32x1024xf32, #tpu.memory_space<vmem_shared>>
    tpu.enqueue_dma source(%dma_start3A_42 : memref<32x1024xf32, #tpu.memory_space<vmem_shared>>) target(%dma_start3A_38 : memref<32x1024xf32, #tpu.memory_space<hbm>>) target_semaphore(%arg8 : memref<!tpu.dma_semaphore, #tpu.memory_space<semaphore_mem>>)
    %add3A_43 = arith.constant 0 : i32
    %add3A_44 = arith.addi %add3A_43, %mul3A_2 : i32
    %add3A_45 = arith.constant 64 : i32
    %add3A_46 = arith.addi %add3A_44, %add3A_45 : i32
    %dma_start3A_47 = arith.constant 2 : i32
    %dma_start3A_48 = arith.constant 0 : i32
    %dma_start3A_49 = arith.constant 0 : i32
    %dma_start3A_50 = tpu.memref_slice %arg4[%arg1, %dma_start3A_47, %dma_start3A_48, %dma_start3A_49] : memref<16x3x32x1024xf32, #tpu.memory_space<vmem_shared>> -> memref<1x1x32x1024xf32, #tpu.memory_space<vmem_shared>>
    %dma_start3A_51 = tpu.memref_squeeze %dma_start3A_50 : memref<1x1x32x1024xf32, #tpu.memory_space<vmem_shared>> -> memref<32x1024xf32, #tpu.memory_space<vmem_shared>>
    %dma_start3A_52 = arith.constant 0 : i32
    %dma_start3A_53 = tpu.memref_slice %arg2[%add3A_46, %dma_start3A_52] : memref<8192x1024xf32, #tpu.memory_space<hbm>> -> memref<32x1024xf32, #tpu.memory_space<hbm>>
    tpu.enqueue_dma source(%dma_start3A_53 : memref<32x1024xf32, #tpu.memory_space<hbm>>) target(%dma_start3A_51 : memref<32x1024xf32, #tpu.memory_space<vmem_shared>>) target_semaphore(%arg7 : memref<!tpu.dma_semaphore, #tpu.memory_space<semaphore_mem>>)
    %add3A_54 = arith.constant 0 : i32
    %add3A_55 = arith.addi %add3A_54, %mul3A_2 : i32
    %add3A_56 = arith.constant 32 : i32
    %add3A_57 = arith.addi %add3A_55, %add3A_56 : i32
    %dma_wait3A_58 = arith.constant 1 : i32
    %dma_wait3A_59 = arith.constant 0 : i32
    %dma_wait3A_60 = arith.constant 0 : i32
    %dma_wait3A_61 = tpu.memref_slice %arg4[%arg1, %dma_wait3A_58, %dma_wait3A_59, %dma_wait3A_60] : memref<16x3x32x1024xf32, #tpu.memory_space<vmem_shared>> -> memref<1x1x32x1024xf32, #tpu.memory_space<vmem_shared>>
    %dma_wait3A_62 = tpu.memref_squeeze %dma_wait3A_61 : memref<1x1x32x1024xf32, #tpu.memory_space<vmem_shared>> -> memref<32x1024xf32, #tpu.memory_space<vmem_shared>>
    %dma_wait3A_63 = arith.constant 0 : i32
    %dma_wait3A_64 = tpu.memref_slice %arg2[%add3A_57, %dma_wait3A_63] : memref<8192x1024xf32, #tpu.memory_space<hbm>> -> memref<32x1024xf32, #tpu.memory_space<hbm>>
    tpu.wait_dma2 semaphore(%arg6 : memref<!tpu.dma_semaphore, #tpu.memory_space<semaphore_mem>>) src(%dma_wait3A_64 : memref<32x1024xf32, #tpu.memory_space<hbm>>) dst(%dma_wait3A_62 : memref<32x1024xf32, #tpu.memory_space<vmem_shared>>)
    %add3A_65 = arith.constant 32 : i32
    %add3A_66 = arith.addi %mul3A_2, %add3A_65 : i32
    %dma_start3A_67 = arith.constant 1 : i32
    %dma_start3A_68 = arith.constant 0 : i32
    %dma_start3A_69 = tpu.memref_slice %arg3[%add3A_66, %dma_start3A_68] : memref<8192x1024xf32, #tpu.memory_space<hbm>> -> memref<32x1024xf32, #tpu.memory_space<hbm>>
    %dma_start3A_70 = arith.constant 0 : i32
    %dma_start3A_71 = arith.constant 0 : i32
    %dma_start3A_72 = tpu.memref_slice %arg4[%arg1, %dma_start3A_67, %dma_start3A_70, %dma_start3A_71] : memref<16x3x32x1024xf32, #tpu.memory_space<vmem_shared>> -> memref<1x1x32x1024xf32, #tpu.memory_space<vmem_shared>>
    %dma_start3A_73 = tpu.memref_squeeze %dma_start3A_72 : memref<1x1x32x1024xf32, #tpu.memory_space<vmem_shared>> -> memref<32x1024xf32, #tpu.memory_space<vmem_shared>>
    tpu.enqueue_dma source(%dma_start3A_73 : memref<32x1024xf32, #tpu.memory_space<vmem_shared>>) target(%dma_start3A_69 : memref<32x1024xf32, #tpu.memory_space<hbm>>) target_semaphore(%arg9 : memref<!tpu.dma_semaphore, #tpu.memory_space<semaphore_mem>>)
    %add3A_74 = arith.constant 0 : i32
    %add3A_75 = arith.addi %mul3A_2, %add3A_74 : i32
    %dma_wait3A_76 = arith.constant 0 : i32
    %dma_wait3A_77 = arith.constant 0 : i32
    %dma_wait3A_78 = tpu.memref_slice %arg3[%add3A_75, %dma_wait3A_77] : memref<8192x1024xf32, #tpu.memory_space<hbm>> -> memref<32x1024xf32, #tpu.memory_space<hbm>>
    %dma_wait3A_79 = arith.constant 0 : i32
    %dma_wait3A_80 = arith.constant 0 : i32
    %dma_wait3A_81 = tpu.memref_slice %arg4[%arg1, %dma_wait3A_76, %dma_wait3A_79, %dma_wait3A_80] : memref<16x3x32x1024xf32, #tpu.memory_space<vmem_shared>> -> memref<1x1x32x1024xf32, #tpu.memory_space<vmem_shared>>
    %dma_wait3A_82 = tpu.memref_squeeze %dma_wait3A_81 : memref<1x1x32x1024xf32, #tpu.memory_space<vmem_shared>> -> memref<32x1024xf32, #tpu.memory_space<vmem_shared>>
    tpu.wait_dma2 semaphore(%arg8 : memref<!tpu.dma_semaphore, #tpu.memory_space<semaphore_mem>>) src(%dma_wait3A_82 : memref<32x1024xf32, #tpu.memory_space<vmem_shared>>) dst(%dma_wait3A_78 : memref<32x1024xf32, #tpu.memory_space<hbm>>)
    %add3A_83 = arith.constant 0 : i32
    %add3A_84 = arith.addi %add3A_83, %mul3A_2 : i32
    %add3A_85 = arith.constant 96 : i32
    %add3A_86 = arith.addi %add3A_84, %add3A_85 : i32
    %dma_start3A_87 = arith.constant 0 : i32
    %dma_start3A_88 = arith.constant 0 : i32
    %dma_start3A_89 = arith.constant 0 : i32
    %dma_start3A_90 = tpu.memref_slice %arg4[%arg1, %dma_start3A_87, %dma_start3A_88, %dma_start3A_89] : memref<16x3x32x1024xf32, #tpu.memory_space<vmem_shared>> -> memref<1x1x32x1024xf32, #tpu.memory_space<vmem_shared>>
    %dma_start3A_91 = tpu.memref_squeeze %dma_start3A_90 : memref<1x1x32x1024xf32, #tpu.memory_space<vmem_shared>> -> memref<32x1024xf32, #tpu.memory_space<vmem_shared>>
    %dma_start3A_92 = arith.constant 0 : i32
    %dma_start3A_93 = tpu.memref_slice %arg2[%add3A_86, %dma_start3A_92] : memref<8192x1024xf32, #tpu.memory_space<hbm>> -> memref<32x1024xf32, #tpu.memory_space<hbm>>
    tpu.enqueue_dma source(%dma_start3A_93 : memref<32x1024xf32, #tpu.memory_space<hbm>>) target(%dma_start3A_91 : memref<32x1024xf32, #tpu.memory_space<vmem_shared>>) target_semaphore(%arg5 : memref<!tpu.dma_semaphore, #tpu.memory_space<semaphore_mem>>)
    %add3A_94 = arith.constant 0 : i32
    %add3A_95 = arith.addi %add3A_94, %mul3A_2 : i32
    %add3A_96 = arith.constant 64 : i32
    %add3A_97 = arith.addi %add3A_95, %add3A_96 : i32
    %dma_wait3A_98 = arith.constant 2 : i32
    %dma_wait3A_99 = arith.constant 0 : i32
    %dma_wait3A_100 = arith.constant 0 : i32
    %dma_wait3A_101 = tpu.memref_slice %arg4[%arg1, %dma_wait3A_98, %dma_wait3A_99, %dma_wait3A_100] : memref<16x3x32x1024xf32, #tpu.memory_space<vmem_shared>> -> memref<1x1x32x1024xf32, #tpu.memory_space<vmem_shared>>
    %dma_wait3A_102 = tpu.memref_squeeze %dma_wait3A_101 : memref<1x1x32x1024xf32, #tpu.memory_space<vmem_shared>> -> memref<32x1024xf32, #tpu.memory_space<vmem_shared>>
    %dma_wait3A_103 = arith.constant 0 : i32
    %dma_wait3A_104 = tpu.memref_slice %arg2[%add3A_97, %dma_wait3A_103] : memref<8192x1024xf32, #tpu.memory_space<hbm>> -> memref<32x1024xf32, #tpu.memory_space<hbm>>
    tpu.wait_dma2 semaphore(%arg7 : memref<!tpu.dma_semaphore, #tpu.memory_space<semaphore_mem>>) src(%dma_wait3A_104 : memref<32x1024xf32, #tpu.memory_space<hbm>>) dst(%dma_wait3A_102 : memref<32x1024xf32, #tpu.memory_space<vmem_shared>>)
    %add3A_105 = arith.constant 64 : i32
    %add3A_106 = arith.addi %mul3A_2, %add3A_105 : i32
    %dma_start3A_107 = arith.constant 2 : i32
    %dma_start3A_108 = arith.constant 0 : i32
    %dma_start3A_109 = tpu.memref_slice %arg3[%add3A_106, %dma_start3A_108] : memref<8192x1024xf32, #tpu.memory_space<hbm>> -> memref<32x1024xf32, #tpu.memory_space<hbm>>
    %dma_start3A_110 = arith.constant 0 : i32
    %dma_start3A_111 = arith.constant 0 : i32
    %dma_start3A_112 = tpu.memref_slice %arg4[%arg1, %dma_start3A_107, %dma_start3A_110, %dma_start3A_111] : memref<16x3x32x1024xf32, #tpu.memory_space<vmem_shared>> -> memref<1x1x32x1024xf32, #tpu.memory_space<vmem_shared>>
    %dma_start3A_113 = tpu.memref_squeeze %dma_start3A_112 : memref<1x1x32x1024xf32, #tpu.memory_space<vmem_shared>> -> memref<32x1024xf32, #tpu.memory_space<vmem_shared>>
    tpu.enqueue_dma source(%dma_start3A_113 : memref<32x1024xf32, #tpu.memory_space<vmem_shared>>) target(%dma_start3A_109 : memref<32x1024xf32, #tpu.memory_space<hbm>>) target_semaphore(%arg10 : memref<!tpu.dma_semaphore, #tpu.memory_space<semaphore_mem>>)
    %add3A_114 = arith.constant 32 : i32
    %add3A_115 = arith.addi %mul3A_2, %add3A_114 : i32
    %dma_wait3A_116 = arith.constant 1 : i32
    %dma_wait3A_117 = arith.constant 0 : i32
    %dma_wait3A_118 = tpu.memref_slice %arg3[%add3A_115, %dma_wait3A_117] : memref<8192x1024xf32, #tpu.memory_space<hbm>> -> memref<32x1024xf32, #tpu.memory_space<hbm>>
    %dma_wait3A_119 = arith.constant 0 : i32
    %dma_wait3A_120 = arith.constant 0 : i32
    %dma_wait3A_121 = tpu.memref_slice %arg4[%arg1, %dma_wait3A_116, %dma_wait3A_119, %dma_wait3A_120] : memref<16x3x32x1024xf32, #tpu.memory_space<vmem_shared>> -> memref<1x1x32x1024xf32, #tpu.memory_space<vmem_shared>>
    %dma_wait3A_122 = tpu.memref_squeeze %dma_wait3A_121 : memref<1x1x32x1024xf32, #tpu.memory_space<vmem_shared>> -> memref<32x1024xf32, #tpu.memory_space<vmem_shared>>
    tpu.wait_dma2 semaphore(%arg9 : memref<!tpu.dma_semaphore, #tpu.memory_space<semaphore_mem>>) src(%dma_wait3A_122 : memref<32x1024xf32, #tpu.memory_space<vmem_shared>>) dst(%dma_wait3A_118 : memref<32x1024xf32, #tpu.memory_space<hbm>>)
    %add3A_123 = arith.constant 0 : i32
    %add3A_124 = arith.addi %add3A_123, %mul3A_2 : i32
    %add3A_125 = arith.constant 128 : i32
    %add3A_126 = arith.addi %add3A_124, %add3A_125 : i32
    %dma_start3A_127 = arith.constant 1 : i32
    %dma_start3A_128 = arith.constant 0 : i32
    %dma_start3A_129 = arith.constant 0 : i32
    %dma_start3A_130 = tpu.memref_slice %arg4[%arg1, %dma_start3A_127, %dma_start3A_128, %dma_start3A_129] : memref<16x3x32x1024xf32, #tpu.memory_space<vmem_shared>> -> memref<1x1x32x1024xf32, #tpu.memory_space<vmem_shared>>
    %dma_start3A_131 = tpu.memref_squeeze %dma_start3A_130 : memref<1x1x32x1024xf32, #tpu.memory_space<vmem_shared>> -> memref<32x1024xf32, #tpu.memory_space<vmem_shared>>
    %dma_start3A_132 = arith.constant 0 : i32
    %dma_start3A_133 = tpu.memref_slice %arg2[%add3A_126, %dma_start3A_132] : memref<8192x1024xf32, #tpu.memory_space<hbm>> -> memref<32x1024xf32, #tpu.memory_space<hbm>>
    tpu.enqueue_dma source(%dma_start3A_133 : memref<32x1024xf32, #tpu.memory_space<hbm>>) target(%dma_start3A_131 : memref<32x1024xf32, #tpu.memory_space<vmem_shared>>) target_semaphore(%arg6 : memref<!tpu.dma_semaphore, #tpu.memory_space<semaphore_mem>>)
    %add3A_134 = arith.constant 0 : i32
    %add3A_135 = arith.addi %add3A_134, %mul3A_2 : i32
    %add3A_136 = arith.constant 96 : i32
    %add3A_137 = arith.addi %add3A_135, %add3A_136 : i32
    %dma_wait3A_138 = arith.constant 0 : i32
    %dma_wait3A_139 = arith.constant 0 : i32
    %dma_wait3A_140 = arith.constant 0 : i32
    %dma_wait3A_141 = tpu.memref_slice %arg4[%arg1, %dma_wait3A_138, %dma_wait3A_139, %dma_wait3A_140] : memref<16x3x32x1024xf32, #tpu.memory_space<vmem_shared>> -> memref<1x1x32x1024xf32, #tpu.memory_space<vmem_shared>>
    %dma_wait3A_142 = tpu.memref_squeeze %dma_wait3A_141 : memref<1x1x32x1024xf32, #tpu.memory_space<vmem_shared>> -> memref<32x1024xf32, #tpu.memory_space<vmem_shared>>
    %dma_wait3A_143 = arith.constant 0 : i32
    %dma_wait3A_144 = tpu.memref_slice %arg2[%add3A_137, %dma_wait3A_143] : memref<8192x1024xf32, #tpu.memory_space<hbm>> -> memref<32x1024xf32, #tpu.memory_space<hbm>>
    tpu.wait_dma2 semaphore(%arg5 : memref<!tpu.dma_semaphore, #tpu.memory_space<semaphore_mem>>) src(%dma_wait3A_144 : memref<32x1024xf32, #tpu.memory_space<hbm>>) dst(%dma_wait3A_142 : memref<32x1024xf32, #tpu.memory_space<vmem_shared>>)
    %add3A_145 = arith.constant 96 : i32
    %add3A_146 = arith.addi %mul3A_2, %add3A_145 : i32
    %dma_start3A_147 = arith.constant 0 : i32
    %dma_start3A_148 = arith.constant 0 : i32
    %dma_start3A_149 = tpu.memref_slice %arg3[%add3A_146, %dma_start3A_148] : memref<8192x1024xf32, #tpu.memory_space<hbm>> -> memref<32x1024xf32, #tpu.memory_space<hbm>>
    %dma_start3A_150 = arith.constant 0 : i32
    %dma_start3A_151 = arith.constant 0 : i32
    %dma_start3A_152 = tpu.memref_slice %arg4[%arg1, %dma_start3A_147, %dma_start3A_150, %dma_start3A_151] : memref<16x3x32x1024xf32, #tpu.memory_space<vmem_shared>> -> memref<1x1x32x1024xf32, #tpu.memory_space<vmem_shared>>
    %dma_start3A_153 = tpu.memref_squeeze %dma_start3A_152 : memref<1x1x32x1024xf32, #tpu.memory_space<vmem_shared>> -> memref<32x1024xf32, #tpu.memory_space<vmem_shared>>
    tpu.enqueue_dma source(%dma_start3A_153 : memref<32x1024xf32, #tpu.memory_space<vmem_shared>>) target(%dma_start3A_149 : memref<32x1024xf32, #tpu.memory_space<hbm>>) target_semaphore(%arg8 : memref<!tpu.dma_semaphore, #tpu.memory_space<semaphore_mem>>)
    %add3A_154 = arith.constant 64 : i32
    %add3A_155 = arith.addi %mul3A_2, %add3A_154 : i32
    %dma_wait3A_156 = arith.constant 2 : i32
    %dma_wait3A_157 = arith.constant 0 : i32
    %dma_wait3A_158 = tpu.memref_slice %arg3[%add3A_155, %dma_wait3A_157] : memref<8192x1024xf32, #tpu.memory_space<hbm>> -> memref<32x1024xf32, #tpu.memory_space<hbm>>
    %dma_wait3A_159 = arith.constant 0 : i32
    %dma_wait3A_160 = arith.constant 0 : i32
    %dma_wait3A_161 = tpu.memref_slice %arg4[%arg1, %dma_wait3A_156, %dma_wait3A_159, %dma_wait3A_160] : memref<16x3x32x1024xf32, #tpu.memory_space<vmem_shared>> -> memref<1x1x32x1024xf32, #tpu.memory_space<vmem_shared>>
    %dma_wait3A_162 = tpu.memref_squeeze %dma_wait3A_161 : memref<1x1x32x1024xf32, #tpu.memory_space<vmem_shared>> -> memref<32x1024xf32, #tpu.memory_space<vmem_shared>>
    tpu.wait_dma2 semaphore(%arg10 : memref<!tpu.dma_semaphore, #tpu.memory_space<semaphore_mem>>) src(%dma_wait3A_162 : memref<32x1024xf32, #tpu.memory_space<vmem_shared>>) dst(%dma_wait3A_158 : memref<32x1024xf32, #tpu.memory_space<hbm>>)
    %add3A_163 = arith.constant 0 : i32
    %add3A_164 = arith.addi %add3A_163, %mul3A_2 : i32
    %add3A_165 = arith.constant 160 : i32
    %add3A_166 = arith.addi %add3A_164, %add3A_165 : i32
    %dma_start3A_167 = arith.constant 2 : i32
    %dma_start3A_168 = arith.constant 0 : i32
    %dma_start3A_169 = arith.constant 0 : i32
    %dma_start3A_170 = tpu.memref_slice %arg4[%arg1, %dma_start3A_167, %dma_start3A_168, %dma_start3A_169] : memref<16x3x32x1024xf32, #tpu.memory_space<vmem_shared>> -> memref<1x1x32x1024xf32, #tpu.memory_space<vmem_shared>>
    %dma_start3A_171 = tpu.memref_squeeze %dma_start3A_170 : memref<1x1x32x1024xf32, #tpu.memory_space<vmem_shared>> -> memref<32x1024xf32, #tpu.memory_space<vmem_shared>>
    %dma_start3A_172 = arith.constant 0 : i32
    %dma_start3A_173 = tpu.memref_slice %arg2[%add3A_166, %dma_start3A_172] : memref<8192x1024xf32, #tpu.memory_space<hbm>> -> memref<32x1024xf32, #tpu.memory_space<hbm>>
    tpu.enqueue_dma source(%dma_start3A_173 : memref<32x1024xf32, #tpu.memory_space<hbm>>) target(%dma_start3A_171 : memref<32x1024xf32, #tpu.memory_space<vmem_shared>>) target_semaphore(%arg7 : memref<!tpu.dma_semaphore, #tpu.memory_space<semaphore_mem>>)
    %add3A_174 = arith.constant 0 : i32
    %add3A_175 = arith.addi %add3A_174, %mul3A_2 : i32
    %add3A_176 = arith.constant 128 : i32
    %add3A_177 = arith.addi %add3A_175, %add3A_176 : i32
    %dma_wait3A_178 = arith.constant 1 : i32
    %dma_wait3A_179 = arith.constant 0 : i32
    %dma_wait3A_180 = arith.constant 0 : i32
    %dma_wait3A_181 = tpu.memref_slice %arg4[%arg1, %dma_wait3A_178, %dma_wait3A_179, %dma_wait3A_180] : memref<16x3x32x1024xf32, #tpu.memory_space<vmem_shared>> -> memref<1x1x32x1024xf32, #tpu.memory_space<vmem_shared>>
    %dma_wait3A_182 = tpu.memref_squeeze %dma_wait3A_181 : memref<1x1x32x1024xf32, #tpu.memory_space<vmem_shared>> -> memref<32x1024xf32, #tpu.memory_space<vmem_shared>>
    %dma_wait3A_183 = arith.constant 0 : i32
    %dma_wait3A_184 = tpu.memref_slice %arg2[%add3A_177, %dma_wait3A_183] : memref<8192x1024xf32, #tpu.memory_space<hbm>> -> memref<32x1024xf32, #tpu.memory_space<hbm>>
    tpu.wait_dma2 semaphore(%arg6 : memref<!tpu.dma_semaphore, #tpu.memory_space<semaphore_mem>>) src(%dma_wait3A_184 : memref<32x1024xf32, #tpu.memory_space<hbm>>) dst(%dma_wait3A_182 : memref<32x1024xf32, #tpu.memory_space<vmem_shared>>)
    %add3A_185 = arith.constant 128 : i32
    %add3A_186 = arith.addi %mul3A_2, %add3A_185 : i32
    %dma_start3A_187 = arith.constant 1 : i32
    %dma_start3A_188 = arith.constant 0 : i32
    %dma_start3A_189 = tpu.memref_slice %arg3[%add3A_186, %dma_start3A_188] : memref<8192x1024xf32, #tpu.memory_space<hbm>> -> memref<32x1024xf32, #tpu.memory_space<hbm>>
    %dma_start3A_190 = arith.constant 0 : i32
    %dma_start3A_191 = arith.constant 0 : i32
    %dma_start3A_192 = tpu.memref_slice %arg4[%arg1, %dma_start3A_187, %dma_start3A_190, %dma_start3A_191] : memref<16x3x32x1024xf32, #tpu.memory_space<vmem_shared>> -> memref<1x1x32x1024xf32, #tpu.memory_space<vmem_shared>>
    %dma_start3A_193 = tpu.memref_squeeze %dma_start3A_192 : memref<1x1x32x1024xf32, #tpu.memory_space<vmem_shared>> -> memref<32x1024xf32, #tpu.memory_space<vmem_shared>>
    tpu.enqueue_dma source(%dma_start3A_193 : memref<32x1024xf32, #tpu.memory_space<vmem_shared>>) target(%dma_start3A_189 : memref<32x1024xf32, #tpu.memory_space<hbm>>) target_semaphore(%arg9 : memref<!tpu.dma_semaphore, #tpu.memory_space<semaphore_mem>>)
    %add3A_194 = arith.constant 96 : i32
    %add3A_195 = arith.addi %mul3A_2, %add3A_194 : i32
    %dma_wait3A_196 = arith.constant 0 : i32
    %dma_wait3A_197 = arith.constant 0 : i32
    %dma_wait3A_198 = tpu.memref_slice %arg3[%add3A_195, %dma_wait3A_197] : memref<8192x1024xf32, #tpu.memory_space<hbm>> -> memref<32x1024xf32, #tpu.memory_space<hbm>>
    %dma_wait3A_199 = arith.constant 0 : i32
    %dma_wait3A_200 = arith.constant 0 : i32
    %dma_wait3A_201 = tpu.memref_slice %arg4[%arg1, %dma_wait3A_196, %dma_wait3A_199, %dma_wait3A_200] : memref<16x3x32x1024xf32, #tpu.memory_space<vmem_shared>> -> memref<1x1x32x1024xf32, #tpu.memory_space<vmem_shared>>
    %dma_wait3A_202 = tpu.memref_squeeze %dma_wait3A_201 : memref<1x1x32x1024xf32, #tpu.memory_space<vmem_shared>> -> memref<32x1024xf32, #tpu.memory_space<vmem_shared>>
    tpu.wait_dma2 semaphore(%arg8 : memref<!tpu.dma_semaphore, #tpu.memory_space<semaphore_mem>>) src(%dma_wait3A_202 : memref<32x1024xf32, #tpu.memory_space<vmem_shared>>) dst(%dma_wait3A_198 : memref<32x1024xf32, #tpu.memory_space<hbm>>)
    %add3A_203 = arith.constant 0 : i32
    %add3A_204 = arith.addi %add3A_203, %mul3A_2 : i32
    %add3A_205 = arith.constant 192 : i32
    %add3A_206 = arith.addi %add3A_204, %add3A_205 : i32
    %dma_start3A_207 = arith.constant 0 : i32
    %dma_start3A_208 = arith.constant 0 : i32
    %dma_start3A_209 = arith.constant 0 : i32
    %dma_start3A_210 = tpu.memref_slice %arg4[%arg1, %dma_start3A_207, %dma_start3A_208, %dma_start3A_209] : memref<16x3x32x1024xf32, #tpu.memory_space<vmem_shared>> -> memref<1x1x32x1024xf32, #tpu.memory_space<vmem_shared>>
    %dma_start3A_211 = tpu.memref_squeeze %dma_start3A_210 : memref<1x1x32x1024xf32, #tpu.memory_space<vmem_shared>> -> memref<32x1024xf32, #tpu.memory_space<vmem_shared>>
    %dma_start3A_212 = arith.constant 0 : i32
    %dma_start3A_213 = tpu.memref_slice %arg2[%add3A_206, %dma_start3A_212] : memref<8192x1024xf32, #tpu.memory_space<hbm>> -> memref<32x1024xf32, #tpu.memory_space<hbm>>
    tpu.enqueue_dma source(%dma_start3A_213 : memref<32x1024xf32, #tpu.memory_space<hbm>>) target(%dma_start3A_211 : memref<32x1024xf32, #tpu.memory_space<vmem_shared>>) target_semaphore(%arg5 : memref<!tpu.dma_semaphore, #tpu.memory_space<semaphore_mem>>)
    %add3A_214 = arith.constant 0 : i32
    %add3A_215 = arith.addi %add3A_214, %mul3A_2 : i32
    %add3A_216 = arith.constant 160 : i32
    %add3A_217 = arith.addi %add3A_215, %add3A_216 : i32
    %dma_wait3A_218 = arith.constant 2 : i32
    %dma_wait3A_219 = arith.constant 0 : i32
    %dma_wait3A_220 = arith.constant 0 : i32
    %dma_wait3A_221 = tpu.memref_slice %arg4[%arg1, %dma_wait3A_218, %dma_wait3A_219, %dma_wait3A_220] : memref<16x3x32x1024xf32, #tpu.memory_space<vmem_shared>> -> memref<1x1x32x1024xf32, #tpu.memory_space<vmem_shared>>
    %dma_wait3A_222 = tpu.memref_squeeze %dma_wait3A_221 : memref<1x1x32x1024xf32, #tpu.memory_space<vmem_shared>> -> memref<32x1024xf32, #tpu.memory_space<vmem_shared>>
    %dma_wait3A_223 = arith.constant 0 : i32
    %dma_wait3A_224 = tpu.memref_slice %arg2[%add3A_217, %dma_wait3A_223] : memref<8192x1024xf32, #tpu.memory_space<hbm>> -> memref<32x1024xf32, #tpu.memory_space<hbm>>
    tpu.wait_dma2 semaphore(%arg7 : memref<!tpu.dma_semaphore, #tpu.memory_space<semaphore_mem>>) src(%dma_wait3A_224 : memref<32x1024xf32, #tpu.memory_space<hbm>>) dst(%dma_wait3A_222 : memref<32x1024xf32, #tpu.memory_space<vmem_shared>>)
    %add3A_225 = arith.constant 160 : i32
    %add3A_226 = arith.addi %mul3A_2, %add3A_225 : i32
    %dma_start3A_227 = arith.constant 2 : i32
    %dma_start3A_228 = arith.constant 0 : i32
    %dma_start3A_229 = tpu.memref_slice %arg3[%add3A_226, %dma_start3A_228] : memref<8192x1024xf32, #tpu.memory_space<hbm>> -> memref<32x1024xf32, #tpu.memory_space<hbm>>
    %dma_start3A_230 = arith.constant 0 : i32
    %dma_start3A_231 = arith.constant 0 : i32
    %dma_start3A_232 = tpu.memref_slice %arg4[%arg1, %dma_start3A_227, %dma_start3A_230, %dma_start3A_231] : memref<16x3x32x1024xf32, #tpu.memory_space<vmem_shared>> -> memref<1x1x32x1024xf32, #tpu.memory_space<vmem_shared>>
    %dma_start3A_233 = tpu.memref_squeeze %dma_start3A_232 : memref<1x1x32x1024xf32, #tpu.memory_space<vmem_shared>> -> memref<32x1024xf32, #tpu.memory_space<vmem_shared>>
    tpu.enqueue_dma source(%dma_start3A_233 : memref<32x1024xf32, #tpu.memory_space<vmem_shared>>) target(%dma_start3A_229 : memref<32x1024xf32, #tpu.memory_space<hbm>>) target_semaphore(%arg10 : memref<!tpu.dma_semaphore, #tpu.memory_space<semaphore_mem>>)
    %add3A_234 = arith.constant 128 : i32
    %add3A_235 = arith.addi %mul3A_2, %add3A_234 : i32
    %dma_wait3A_236 = arith.constant 1 : i32
    %dma_wait3A_237 = arith.constant 0 : i32
    %dma_wait3A_238 = tpu.memref_slice %arg3[%add3A_235, %dma_wait3A_237] : memref<8192x1024xf32, #tpu.memory_space<hbm>> -> memref<32x1024xf32, #tpu.memory_space<hbm>>
    %dma_wait3A_239 = arith.constant 0 : i32
    %dma_wait3A_240 = arith.constant 0 : i32
    %dma_wait3A_241 = tpu.memref_slice %arg4[%arg1, %dma_wait3A_236, %dma_wait3A_239, %dma_wait3A_240] : memref<16x3x32x1024xf32, #tpu.memory_space<vmem_shared>> -> memref<1x1x32x1024xf32, #tpu.memory_space<vmem_shared>>
    %dma_wait3A_242 = tpu.memref_squeeze %dma_wait3A_241 : memref<1x1x32x1024xf32, #tpu.memory_space<vmem_shared>> -> memref<32x1024xf32, #tpu.memory_space<vmem_shared>>
    tpu.wait_dma2 semaphore(%arg9 : memref<!tpu.dma_semaphore, #tpu.memory_space<semaphore_mem>>) src(%dma_wait3A_242 : memref<32x1024xf32, #tpu.memory_space<vmem_shared>>) dst(%dma_wait3A_238 : memref<32x1024xf32, #tpu.memory_space<hbm>>)
    %add3A_243 = arith.constant 0 : i32
    %add3A_244 = arith.addi %add3A_243, %mul3A_2 : i32
    %add3A_245 = arith.constant 224 : i32
    %add3A_246 = arith.addi %add3A_244, %add3A_245 : i32
    %dma_start3A_247 = arith.constant 1 : i32
    %dma_start3A_248 = arith.constant 0 : i32
    %dma_start3A_249 = arith.constant 0 : i32
    %dma_start3A_250 = tpu.memref_slice %arg4[%arg1, %dma_start3A_247, %dma_start3A_248, %dma_start3A_249] : memref<16x3x32x1024xf32, #tpu.memory_space<vmem_shared>> -> memref<1x1x32x1024xf32, #tpu.memory_space<vmem_shared>>
    %dma_start3A_251 = tpu.memref_squeeze %dma_start3A_250 : memref<1x1x32x1024xf32, #tpu.memory_space<vmem_shared>> -> memref<32x1024xf32, #tpu.memory_space<vmem_shared>>
    %dma_start3A_252 = arith.constant 0 : i32
    %dma_start3A_253 = tpu.memref_slice %arg2[%add3A_246, %dma_start3A_252] : memref<8192x1024xf32, #tpu.memory_space<hbm>> -> memref<32x1024xf32, #tpu.memory_space<hbm>>
    tpu.enqueue_dma source(%dma_start3A_253 : memref<32x1024xf32, #tpu.memory_space<hbm>>) target(%dma_start3A_251 : memref<32x1024xf32, #tpu.memory_space<vmem_shared>>) target_semaphore(%arg6 : memref<!tpu.dma_semaphore, #tpu.memory_space<semaphore_mem>>)
    %add3A_254 = arith.constant 0 : i32
    %add3A_255 = arith.addi %add3A_254, %mul3A_2 : i32
    %add3A_256 = arith.constant 192 : i32
    %add3A_257 = arith.addi %add3A_255, %add3A_256 : i32
    %dma_wait3A_258 = arith.constant 0 : i32
    %dma_wait3A_259 = arith.constant 0 : i32
    %dma_wait3A_260 = arith.constant 0 : i32
    %dma_wait3A_261 = tpu.memref_slice %arg4[%arg1, %dma_wait3A_258, %dma_wait3A_259, %dma_wait3A_260] : memref<16x3x32x1024xf32, #tpu.memory_space<vmem_shared>> -> memref<1x1x32x1024xf32, #tpu.memory_space<vmem_shared>>
    %dma_wait3A_262 = tpu.memref_squeeze %dma_wait3A_261 : memref<1x1x32x1024xf32, #tpu.memory_space<vmem_shared>> -> memref<32x1024xf32, #tpu.memory_space<vmem_shared>>
    %dma_wait3A_263 = arith.constant 0 : i32
    %dma_wait3A_264 = tpu.memref_slice %arg2[%add3A_257, %dma_wait3A_263] : memref<8192x1024xf32, #tpu.memory_space<hbm>> -> memref<32x1024xf32, #tpu.memory_space<hbm>>
    tpu.wait_dma2 semaphore(%arg5 : memref<!tpu.dma_semaphore, #tpu.memory_space<semaphore_mem>>) src(%dma_wait3A_264 : memref<32x1024xf32, #tpu.memory_space<hbm>>) dst(%dma_wait3A_262 : memref<32x1024xf32, #tpu.memory_space<vmem_shared>>)
    %add3A_265 = arith.constant 192 : i32
    %add3A_266 = arith.addi %mul3A_2, %add3A_265 : i32
    %dma_start3A_267 = arith.constant 0 : i32
    %dma_start3A_268 = arith.constant 0 : i32
    %dma_start3A_269 = tpu.memref_slice %arg3[%add3A_266, %dma_start3A_268] : memref<8192x1024xf32, #tpu.memory_space<hbm>> -> memref<32x1024xf32, #tpu.memory_space<hbm>>
    %dma_start3A_270 = arith.constant 0 : i32
    %dma_start3A_271 = arith.constant 0 : i32
    %dma_start3A_272 = tpu.memref_slice %arg4[%arg1, %dma_start3A_267, %dma_start3A_270, %dma_start3A_271] : memref<16x3x32x1024xf32, #tpu.memory_space<vmem_shared>> -> memref<1x1x32x1024xf32, #tpu.memory_space<vmem_shared>>
    %dma_start3A_273 = tpu.memref_squeeze %dma_start3A_272 : memref<1x1x32x1024xf32, #tpu.memory_space<vmem_shared>> -> memref<32x1024xf32, #tpu.memory_space<vmem_shared>>
    tpu.enqueue_dma source(%dma_start3A_273 : memref<32x1024xf32, #tpu.memory_space<vmem_shared>>) target(%dma_start3A_269 : memref<32x1024xf32, #tpu.memory_space<hbm>>) target_semaphore(%arg8 : memref<!tpu.dma_semaphore, #tpu.memory_space<semaphore_mem>>)
    %add3A_274 = arith.constant 0 : i32
    %add3A_275 = arith.addi %add3A_274, %mul3A_2 : i32
    %add3A_276 = arith.constant 224 : i32
    %add3A_277 = arith.addi %add3A_275, %add3A_276 : i32
    %dma_wait3A_278 = arith.constant 1 : i32
    %dma_wait3A_279 = arith.constant 0 : i32
    %dma_wait3A_280 = arith.constant 0 : i32
    %dma_wait3A_281 = tpu.memref_slice %arg4[%arg1, %dma_wait3A_278, %dma_wait3A_279, %dma_wait3A_280] : memref<16x3x32x1024xf32, #tpu.memory_space<vmem_shared>> -> memref<1x1x32x1024xf32, #tpu.memory_space<vmem_shared>>
    %dma_wait3A_282 = tpu.memref_squeeze %dma_wait3A_281 : memref<1x1x32x1024xf32, #tpu.memory_space<vmem_shared>> -> memref<32x1024xf32, #tpu.memory_space<vmem_shared>>
    %dma_wait3A_283 = arith.constant 0 : i32
    %dma_wait3A_284 = tpu.memref_slice %arg2[%add3A_277, %dma_wait3A_283] : memref<8192x1024xf32, #tpu.memory_space<hbm>> -> memref<32x1024xf32, #tpu.memory_space<hbm>>
    tpu.wait_dma2 semaphore(%arg6 : memref<!tpu.dma_semaphore, #tpu.memory_space<semaphore_mem>>) src(%dma_wait3A_284 : memref<32x1024xf32, #tpu.memory_space<hbm>>) dst(%dma_wait3A_282 : memref<32x1024xf32, #tpu.memory_space<vmem_shared>>)
    %add3A_285 = arith.constant 224 : i32
    %add3A_286 = arith.addi %mul3A_2, %add3A_285 : i32
    %dma_start3A_287 = arith.constant 1 : i32
    %dma_start3A_288 = arith.constant 0 : i32
    %dma_start3A_289 = tpu.memref_slice %arg3[%add3A_286, %dma_start3A_288] : memref<8192x1024xf32, #tpu.memory_space<hbm>> -> memref<32x1024xf32, #tpu.memory_space<hbm>>
    %dma_start3A_290 = arith.constant 0 : i32
    %dma_start3A_291 = arith.constant 0 : i32
    %dma_start3A_292 = tpu.memref_slice %arg4[%arg1, %dma_start3A_287, %dma_start3A_290, %dma_start3A_291] : memref<16x3x32x1024xf32, #tpu.memory_space<vmem_shared>> -> memref<1x1x32x1024xf32, #tpu.memory_space<vmem_shared>>
    %dma_start3A_293 = tpu.memref_squeeze %dma_start3A_292 : memref<1x1x32x1024xf32, #tpu.memory_space<vmem_shared>> -> memref<32x1024xf32, #tpu.memory_space<vmem_shared>>
    tpu.enqueue_dma source(%dma_start3A_293 : memref<32x1024xf32, #tpu.memory_space<vmem_shared>>) target(%dma_start3A_289 : memref<32x1024xf32, #tpu.memory_space<hbm>>) target_semaphore(%arg9 : memref<!tpu.dma_semaphore, #tpu.memory_space<semaphore_mem>>)
    %add3A_294 = arith.constant 160 : i32
    %add3A_295 = arith.addi %mul3A_2, %add3A_294 : i32
    %dma_wait3A_296 = arith.constant 2 : i32
    %dma_wait3A_297 = arith.constant 0 : i32
    %dma_wait3A_298 = tpu.memref_slice %arg3[%add3A_295, %dma_wait3A_297] : memref<8192x1024xf32, #tpu.memory_space<hbm>> -> memref<32x1024xf32, #tpu.memory_space<hbm>>
    %dma_wait3A_299 = arith.constant 0 : i32
    %dma_wait3A_300 = arith.constant 0 : i32
    %dma_wait3A_301 = tpu.memref_slice %arg4[%arg1, %dma_wait3A_296, %dma_wait3A_299, %dma_wait3A_300] : memref<16x3x32x1024xf32, #tpu.memory_space<vmem_shared>> -> memref<1x1x32x1024xf32, #tpu.memory_space<vmem_shared>>
    %dma_wait3A_302 = tpu.memref_squeeze %dma_wait3A_301 : memref<1x1x32x1024xf32, #tpu.memory_space<vmem_shared>> -> memref<32x1024xf32, #tpu.memory_space<vmem_shared>>
    tpu.wait_dma2 semaphore(%arg10 : memref<!tpu.dma_semaphore, #tpu.memory_space<semaphore_mem>>) src(%dma_wait3A_302 : memref<32x1024xf32, #tpu.memory_space<vmem_shared>>) dst(%dma_wait3A_298 : memref<32x1024xf32, #tpu.memory_space<hbm>>)
    %add3A_303 = arith.constant 192 : i32
    %add3A_304 = arith.addi %mul3A_2, %add3A_303 : i32
    %dma_wait3A_305 = arith.constant 0 : i32
    %dma_wait3A_306 = arith.constant 0 : i32
    %dma_wait3A_307 = tpu.memref_slice %arg3[%add3A_304, %dma_wait3A_306] : memref<8192x1024xf32, #tpu.memory_space<hbm>> -> memref<32x1024xf32, #tpu.memory_space<hbm>>
    %dma_wait3A_308 = arith.constant 0 : i32
    %dma_wait3A_309 = arith.constant 0 : i32
    %dma_wait3A_310 = tpu.memref_slice %arg4[%arg1, %dma_wait3A_305, %dma_wait3A_308, %dma_wait3A_309] : memref<16x3x32x1024xf32, #tpu.memory_space<vmem_shared>> -> memref<1x1x32x1024xf32, #tpu.memory_space<vmem_shared>>
    %dma_wait3A_311 = tpu.memref_squeeze %dma_wait3A_310 : memref<1x1x32x1024xf32, #tpu.memory_space<vmem_shared>> -> memref<32x1024xf32, #tpu.memory_space<vmem_shared>>
    tpu.wait_dma2 semaphore(%arg8 : memref<!tpu.dma_semaphore, #tpu.memory_space<semaphore_mem>>) src(%dma_wait3A_311 : memref<32x1024xf32, #tpu.memory_space<vmem_shared>>) dst(%dma_wait3A_307 : memref<32x1024xf32, #tpu.memory_space<hbm>>)
    %add3A_312 = arith.constant 224 : i32
    %add3A_313 = arith.addi %mul3A_2, %add3A_312 : i32
    %dma_wait3A_314 = arith.constant 1 : i32
    %dma_wait3A_315 = arith.constant 0 : i32
    %dma_wait3A_316 = tpu.memref_slice %arg3[%add3A_313, %dma_wait3A_315] : memref<8192x1024xf32, #tpu.memory_space<hbm>> -> memref<32x1024xf32, #tpu.memory_space<hbm>>
    %dma_wait3A_317 = arith.constant 0 : i32
    %dma_wait3A_318 = arith.constant 0 : i32
    %dma_wait3A_319 = tpu.memref_slice %arg4[%arg1, %dma_wait3A_314, %dma_wait3A_317, %dma_wait3A_318] : memref<16x3x32x1024xf32, #tpu.memory_space<vmem_shared>> -> memref<1x1x32x1024xf32, #tpu.memory_space<vmem_shared>>
    %dma_wait3A_320 = tpu.memref_squeeze %dma_wait3A_319 : memref<1x1x32x1024xf32, #tpu.memory_space<vmem_shared>> -> memref<32x1024xf32, #tpu.memory_space<vmem_shared>>
    tpu.wait_dma2 semaphore(%arg9 : memref<!tpu.dma_semaphore, #tpu.memory_space<semaphore_mem>>) src(%dma_wait3A_320 : memref<32x1024xf32, #tpu.memory_space<vmem_shared>>) dst(%dma_wait3A_316 : memref<32x1024xf32, #tpu.memory_space<hbm>>)
    return
  }
}

</mosaic_0001>

<sc_bundles>
// kernel: kernel.3.cloned.1.call-start
scs
__scs_entry_jumppad:
0x0: {  	(pc) =	sbr.rel $0x88, $3  }
0x1: {  	(tag) =	ssettag $0x0;
	lr =	simm.s32 $0x1  }
0x2: {  	[smem:$0x3FA0] =	sst lr;
	_ =	strace $0xD0000000  }
0x3: {  	_ = 	snop  }
0x4: {  	_ = 	snop  }
0x5: {  	_ = 	snop  }
0x6: {  	_ = 	snop  }
0x7: {  	_ = 	snop  }
__scs_overlays_trampoline_lowered:
0x8: {  	[smem:$0x3FAF] =	sst s0  }
0x9: {  	[smem:$0x3FB0] =	sst s1  }
0xa: {  	[smem:$0x3FB1] =	sst s2  }
0xb: {  	[smem:$0x3FB2] =	sst s3  }
0xc: {  	[smem:$0x3FB3] =	sst s4  }
0xd: {  	[smem:$0x3FB4] =	sst s5  }
0xe: {  	[smem:$0x3FB5] =	sst s6  }
0xf: {  	[smem:$0x3FB6] =	sst s7  }
0x10: {  	[smem:$0x3FB7] =	sst s8  }
0x11: {  	[smem:$0x3FB8] =	sst s9;
	s0 =	simm.s32 @!p0 $0x0  }
0x12: {  	s1 =	sld [smem:$0x3F9E];
	s0 =	simm.s32 @p0 $0x1  }
0x13: {  	[smem:$0x3FB9] =	sst s0;
	s0 =	simm.s32 @!p1 $0x0  }
0x14: {  	s2 =	sld [smem:$0x3F9D];
	s0 =	simm.s32 @p1 $0x1  }
0x15: {  	[smem:$0x3FBA] =	sst s0;
	s0 =	simm.s32 @!p2 $0x0  }
0x16: {  	s3 =	sld [smem:$0x3FDB];
	s0 =	simm.s32 @p2 $0x1  }
0x17: {  	s4 =	simm.s32 $0x1BF5;
	[smem:$0x3FBC] =	sst s0  }
0x18: {  	s0 =	sld [smem:$0x3F9F];
	_ =	swait.ge [sflag:s4], $0x0  }
0x19: {  	s7 =	sld [smem:$0x3FA0]  }
0x1a: {  	s8 =	sadd.s32 $0xFFFFE003, lr  }
0x1b: {  	s9 =	sadd.s32 $0xFFFFFEF7, lr;
	s5 =	simm.s32 $0xFFFFFFFF;
	p2 =	slt.u32 s8, $0xFFFFF086  }
0x1c: {  	p1 =	slt.u32 s9, $0xF7A;
	s5 =	simm.s32 @!p2 $0x0  }
0x1d: {  	s5 =	simm.s32 @p1 $0x1;
	p0 =	seq.s32 s7, s2  }
0x1e: {  	s7 =	smul.u32 @!p0 $0xF7A, s2;
	p2 =	seq.s32 @!p0 s5, $0x0  }
0x1f: {  	s9 =	smul.u32 $0xF7A, s1;
	s8 =	simm.s32 @!p0 $0x1BF5;
	p2 =	por !p2, p0  }
0x20: {  	[sflag:s8] =	ssyncset.s32 @!p0 $0xFFFFF086;
	s6 =	sadd.s32 @!p0 s3, s7;
	s7 =	simm.s32 @!p0 $0x108  }
0x21: {  	s3 =	sadd.s32 s3, s9;
	s6 =	sadd.s32 @!p0 $0x88, s6;
	s7 =	simm.s32 @p2 $0x1082  }
0x22: {  	[simem:s7], [sflag:s8] =	dma.local @!p0 [hbm:s6], $0xF7A  }
0x23: {  	s9 =	sor.u32 $0xD0000000, s2;
	s6 =	simm.s32 $0x108;
	_ =	swait.ge @!p0 [sflag:s8], $0x0  }
0x24: {  	s3 =	sadd.s32 $0x88, s3;
	s6 =	simm.s32 @!p1 $0x1082;
	[sflag:s4] =	ssyncset.s32 $0xFFFFF086  }
0x25: {  	[simem:s6], [sflag:s4] =	dma.local [hbm:s3], $0xF7A  }
0x26: {  	[smem:$0x3FA0] =	sst s1;
	(tag) =	ssettag s2;
	_ =	strace s9  }
0x27: {  	s1 =	sld [smem:$0x3FB0]  }
0x28: {  	s2 =	sld [smem:$0x3FB1]  }
0x29: {  	s4 =	sld [smem:$0x3FB3]  }
0x2a: {  	p0 =	seq.s32 s5, $0x0;
	s5 =	sld [smem:$0x3FB4]  }
0x2b: {  	s6 =	sld [smem:$0x3FB5]  }
0x2c: {  	s7 =	sld [smem:$0x3FB6]  }
0x2d: {  	s3 =	simm.s32 $0x108;
	s8 =	sld [smem:$0x3FB7]  }
0x2e: {  	s3 =	simm.s32 @!p0 $0x1082;
	s9 =	sld [smem:$0x3FB8]  }
0x2f: {  	lr =	sadd.s32 s0, s3;
	s0 =	sld [smem:$0x3FAF]  }
0x30: {  	s3 =	sld [smem:$0x3FB2]  }
0x31: {  	[smem:$0x3FBB] =	sst s10  }
0x32: {  	s10 =	sld [smem:$0x3FB9];
	_ =	sdelay $0x3  }
0x33: {  	p0 =	seq.s32 s10, $0x1;
	s10 =	sld [smem:$0x3FBB];
	_ =	sdelay $0x3  }
0x34: {  	[smem:$0x3FBB] =	sst s10  }
0x35: {  	s10 =	sld [smem:$0x3FBA];
	_ =	sdelay $0x3  }
0x36: {  	p1 =	seq.s32 s10, $0x1;
	s10 =	sld [smem:$0x3FBB];
	_ =	sdelay $0x3  }
0x37: {  	[smem:$0x3FBB] =	sst s10  }
0x38: {  	s10 =	sld [smem:$0x3FBC]  }
0x39: {  	_ = 	snop;
	(pc) =	sbr.ind lr, $3  }
0x3a: {  	_ = 	snop  }
0x3b: {  	_ = 	snop  }
0x3c: {  	p2 =	seq.s32 s10, $0x1;
	s10 =	sld [smem:$0x3FBB]  }
0x3d: {  	_ =	shalt  }
0x3e: {  	_ =	shalt  }
0x3f: {  	_ =	shalt  }
0x40: {  	_ =	shalt  }
0x41: {  	_ =	shalt  }
0x42: {  	_ =	shalt  }
0x43: {  	_ =	shalt  }
0x44: {  	_ =	shalt  }
0x45: {  	_ =	shalt  }
0x46: {  	_ =	shalt  }
0x47: {  	_ =	shalt  }
0x48: {  	_ =	shalt  }
0x49: {  	_ =	shalt  }
0x4a: {  	_ =	shalt  }
0x4b: {  	_ =	shalt  }
0x4c: {  	_ =	shalt  }
0x4d: {  	_ =	shalt  }
0x4e: {  	_ =	shalt  }
0x4f: {  	_ =	shalt  }
0x50: {  	_ =	shalt  }
0x51: {  	_ =	shalt  }
0x52: {  	_ =	shalt  }
0x53: {  	_ =	shalt  }
0x54: {  	_ =	shalt  }
0x55: {  	_ =	shalt  }
0x56: {  	_ =	shalt  }
0x57: {  	_ =	shalt  }
0x58: {  	_ =	shalt  }
0x59: {  	_ =	shalt  }
0x5a: {  	_ =	shalt  }
0x5b: {  	_ =	shalt  }
0x5c: {  	_ =	shalt  }
0x5d: {  	_ =	shalt  }
0x5e: {  	_ =	shalt  }
0x5f: {  	_ =	shalt  }
0x60: {  	_ =	shalt  }
0x61: {  	_ =	shalt  }
0x62: {  	_ =	shalt  }
0x63: {  	_ =	shalt  }
0x64: {  	_ =	shalt  }
0x65: {  	_ =	shalt  }
0x66: {  	_ =	shalt  }
0x67: {  	_ =	shalt  }
0x68: {  	_ =	shalt  }
0x69: {  	_ =	shalt  }
0x6a: {  	_ =	shalt  }
0x6b: {  	_ =	shalt  }
0x6c: {  	_ =	shalt  }
0x6d: {  	_ =	shalt  }
0x6e: {  	_ =	shalt  }
0x6f: {  	_ =	shalt  }
0x70: {  	_ =	shalt  }
0x71: {  	_ =	shalt  }
0x72: {  	_ =	shalt  }
0x73: {  	_ =	shalt  }
0x74: {  	_ =	shalt  }
0x75: {  	_ =	shalt  }
0x76: {  	_ =	shalt  }
0x77: {  	_ =	shalt  }
0x78: {  	_ =	shalt  }
0x79: {  	_ =	shalt  }
0x7a: {  	_ =	shalt  }
0x7b: {  	_ =	shalt  }
0x7c: {  	_ =	shalt  }
0x7d: {  	_ =	shalt  }
0x7e: {  	_ =	shalt  }
0x7f: {  	_ =	shalt  }
0x80: {  	_ =	shalt  }
0x81: {  	_ =	shalt  }
0x82: {  	_ =	shalt  }
0x83: {  	_ =	shalt  }
0x84: {  	_ =	shalt  }
0x85: {  	_ =	shalt  }
0x86: {  	_ =	shalt  }
0x87: {  	_ =	shalt  }
.Lfunc_end0:
.L_simem_size_0:
called_computation_lowered:
.L_overlay_start_0:
0x88: {  	s2 =	sld [smem:$0x3FD9]  }
0x89: {  	s3 =	sld [smem:$0x3FFE];
	_ =	sdelay $0x1  }
0x8a: {  	s1 =	srdreg.scid  }
0x8b: {  	s0 =	sand.u32 $0x1, s1  }
0x8c: {  	s18 =	sshll.u32 s0, $0xA;
	s2 =	sadd.s32 s3, s2  }
0x8d: {  	s2 =	sadd.s32 s2, s18  }
0x8e: {  	[smem:$0x3FC7] =	sst s2  }
0x8f: {  	_ = 	snop  }
0x90: {  	s2 =	sld [smem:$0x3FC9]  }
0x91: {  	s19 =	sld [smem:$0x3FD0];
	(tm) =	ssettm $0x1  }
0x92: {  	s4 =	sld [smem:$0x3FFB];
	_ =	sdelay $0x3  }
0x93: {  	_ =	strace s4  }
0x94: {  	s4 =	sld [smem:$0x3FFC];
	_ =	sdelay $0x3  }
0x95: {  	_ =	strace s4  }
0x96: {  	s4 =	sld [smem:$0x3FFD];
	_ =	sdelay $0x3  }
0x97: {  	_ =	strace s4  }
0x98: {  	_ =	strace $0x8FFFFFFF  }
0x99: {  	s20 =	sld [smem:$0x3FDB];
	_ =	sdelay $0x1  }
0x9a: {  	s5 =	simm.s32 $_scs_section_size  }
0x9b: {  	s6 =	simm.s32 $_size__tile_overlayer_lowered;
	s7 =	simm.s32 $_tile_overlayer_lowered  }
0x9c: {  	s23 =	simm.s32 $0x1BFF;
	s22 =	sshll.u32 s7, $0x1;
	s4 =	sadd.s32 s5, s20  }
0x9d: {  	s8 =	simm.s32 $0x0;
	s21 =	sshll.u32 s6, $0x1;
	s6 =	sadd.s32 s22, s4  }
0x9e: {  	[timem:s8], [sflag:s23] =	dma.local [hbm:s6], s21  }
0x9f: {  	_ =	swait.ge [sflag:s23], s21  }
0xa0: {  	s5 =	ssub.s32 $0x0, s21;
	[sflag:s23] =	ssyncset.done $0x0  }
0xa1: {  	[sflag:s23] =	ssyncadd.s32 s5;
	_ =	sdelay $0x1  }
0xa2: {  	s24 =	simm.s32 $0x1B8B  }
0xa3: {  	_ =	swait.ge [sflag:s24], $0x1  }
0xa4: {  	[sflag:s24] =	ssyncset.done $0x0  }
0xa5: {  	s25 =	simm.s32 $0x1B8E;
	[sflag:s24] =	ssyncadd.s32 $0xFFFFFFFF  }
0xa6: {  	s26 =	simm.s32 $execute0_lowered;
	[smem:$0x3FD2] =	sst s25  }
0xa7: {  	s5 =	sshll.u32 s26, $0x1;
	_ =	strace $0x80000046;
	[dreg:$0x1] =	wrdreg $0xFFFFFFFF  }
0xa8: {  	s28 =	simm.s32 $_size_execute0_lowered;
	s4 =	sadd.s32 s4, s5;
	[dreg:$0x0] =	wrdreg $0x0  }
0xa9: {  	s5 =	sshll.u32 s28, $0x1;
	[dreg:$0x2] =	wrdreg s4  }
0xaa: {  	[dreg:$0x3] =	wrdreg s5  }
0xab: {  	[dreg:$0x4] =	wrdreg $0xC0  }
0xac: {  	_ =	task [dreg:s8], $0x5FFFF  }
0xad: {  	[dreg:$0x1] =	wrdreg $0xFFFFFFFF  }
0xae: {  	[dreg:$0x0] =	wrdreg $0x60  }
0xaf: {  	[dreg:$0x2] =	wrdreg s2  }
0xb0: {  	[dreg:$0x3] =	wrdreg s19  }
0xb1: {  	[dreg:$0x4] =	wrdreg $0x0  }
0xb2: {  	[dreg:$0x5] =	wrdreg $0x9  }
0xb3: {  	_ =	task.clear_ibuf [dreg:s8], $0x6FFFF;
	_ =	strace $0x90000046  }
0xb4: {  	s29 =	simm.s32 $0x9;
	_ =	strace $0x80000048  }
0xb5: {  	_ =	swait.ge [sflag:s29], $0x1  }
0xb6: {  	[sflag:s29] =	ssyncadd.s32 $0xFFFFFFFF  }
0xb7: {  	_ =	strace $0x90000048  }
0xb8: {  	_ =	sfence  }
0xb9: {  	s30 =	sld [smem:$0x0];
	_ =	sdelay $0x2  }
0xba: {  	s31 =	sshll.u32 s1, $0xD;
	s1 =	sshrl.u32 s1, $0x2  }
0xbb: {  	s3 =	sand.u32 $0x4000, s31;
	s1 =	sadd.s32 s1, s30  }
0xbc: {  	s0 =	sor.u32 s3, s0;
	s1 =	sshll.u32 s1, $0x11  }
0xbd: {  	s0 =	sor.u32 s1, s0  }
0xbe: {  	s0 =	sadd.s32 $0x8F2B, s0  }
0xbf: {  	[sflag:s0] =	ssyncadd.remote.s32 $0x1  }
0xc0: {  	_ =	sfence.sel $0xFFFF  }
0xc1: {  	[dreg:$0x0] =	wrdreg $0xFFFFFFFF;
	(pc) =	sbr.abs _section_cstart, $3  }
0xc2: {  	[dreg:$0x1] =	wrdreg $0xFFFFFFFF  }
0xc3: {  	_ =	task.clear_ibuf [dreg:s8], $0x2FFFF;
	_ =	strace $0x9FFFFFFF  }
0xc4: {  	(tm) =	ssettm $0x7FFFFFFF  }
0xc5: {  	_ =	shalt  }
tec
execute0_lowered:
.L_overlay_start_1:
0x0: {  	(tag) =	ssettag $0x1  }
0x1: {  	s28 =	rddreg [dreg:$0x0]  }
0x2: {  	s30 =	rddreg [dreg:$0x1]  }
0x3: {  	s2 =	rddreg [dreg:$0x2]  }
0x4: {  	s3 =	srdreg.scid;
	s0 =	stileid.u32;
	s21 =	simm.s32 $0x0  }
0x5: {  	s9 =	simm.s32 $0x2;
	s31 =	sand.u32 $0x1, s3;
	s4 =	sshll.u32 s0, $0x10  }
0x6: {  	[smem:$0x7FF] =	sst s21;
	s22 =	smul.u32 $0x60000, s0;
	s5 =	sshll.u32 s31, $0xF  }
0x7: {  	s19 =	sshll.u32 s0, $0x6;
	_ =	strace $0x80000047;
	s29 =	sor.u32 s5, s4  }
0x8: {  	s6 =	sor.u32 $0x1C02, s19;
	s10 =	sor.u32 $0x1C04, s19;
	s4 =	sadd.s32 s28, s29  }
0x9: {  	s3 =	sshrl.u32 s22, $0x2;
	s24 =	sadd.s32 s30, s29;
	[dreg:$0x4] =	wrdreg s4  }
0xa: {  	s12 =	sor.u32 $0x1000, s29;
	s7 =	sadd.s32 s3, s2;
	[dreg:$0x6] =	wrdreg s24  }
0xb: {  	s2 =	sor.u32 $0x1C01, s19;
	s23 =	sadd.s32 s28, s12;
	s4 =	rddreg [dreg:$0x4]  }
0xc: {  	s3 =	sshrl.u32 s7, $0x3;
	s25 =	sadd.s32 $0x8000, s7;
	[dreg:$0x5] =	wrdreg s23  }
0xd: {  	[spmem:s3], [sflag:s2] =	dma.local [hbm:s4], $0x1000  }
0xe: {  	s5 =	simm.s32 $0x1;
	s4 =	sshrl.u32 s25, $0x3;
	s8 =	rddreg [dreg:$0x5]  }
0xf: {  	[spmem:s4], [sflag:s6] =	dma.local [hbm:s8], $0x1000  }
0x10: {  	s11 =	sor.u32 $0x1C03, s19;
	s17 =	sor.u32 $0x2000, s29;
	_ =	swait.ge [sflag:s5], $0x1000  }
0x11: {  	s26 =	sadd.s32 $0x10000, s7;
	s7 =	sadd.s32 s28, s17;
	[sflag:s5] =	ssyncset.done $0x0  }
0x12: {  	s8 =	sshrl.u32 s26, $0x3;
	s13 =	rddreg [dreg:$0x6];
	[sflag:s5] =	ssyncadd.s32 $0xFFFFF000  }
0x13: {  	[hbm:s13], [sflag:s10] =	dma.local [spmem:s3], $0x1000  }
0x14: {  	[spmem:s8], [sflag:s11] =	dma.local [hbm:s7], $0x1000  }
0x15: {  	_ =	swait.ge [sflag:s9], $0x1000  }
0x16: {  	s14 =	sor.u32 $0x1C05, s19;
	[sflag:s9] =	ssyncset.done $0x0  }
0x17: {  	s12 =	sadd.s32 s30, s12;
	s13 =	simm.s32 $0x4;
	[sflag:s9] =	ssyncadd.s32 $0xFFFFF000  }
0x18: {  	[hbm:s12], [sflag:s14] =	dma.local [spmem:s4], $0x1000  }
0x19: {  	_ =	swait.ge [sflag:s13], $0x1000  }
0x1a: {  	s21 =	sor.u32 $0x3000, s29;
	[sflag:s13] =	ssyncset.done $0x0  }
0x1b: {  	s16 =	simm.s32 $0x3;
	s15 =	sadd.s32 s28, s21;
	[sflag:s13] =	ssyncadd.s32 $0xFFFFF000  }
0x1c: {  	[spmem:s3], [sflag:s2] =	dma.local [hbm:s15], $0x1000  }
0x1d: {  	_ =	swait.ge [sflag:s16], $0x1000  }
0x1e: {  	s19 =	sor.u32 $0x1C06, s19;
	[sflag:s16] =	ssyncset.done $0x0  }
0x1f: {  	s18 =	sadd.s32 s30, s17;
	s17 =	simm.s32 $0x5;
	[sflag:s16] =	ssyncadd.s32 $0xFFFFF000  }
0x20: {  	[hbm:s18], [sflag:s19] =	dma.local [spmem:s8], $0x1000  }
0x21: {  	_ =	swait.ge [sflag:s17], $0x1000  }
0x22: {  	s24 =	sor.u32 $0x4000, s29;
	[sflag:s17] =	ssyncset.done $0x0  }
0x23: {  	s20 =	sadd.s32 s28, s24;
	[sflag:s17] =	ssyncadd.s32 $0xFFFFF000  }
0x24: {  	[spmem:s4], [sflag:s6] =	dma.local [hbm:s20], $0x1000  }
0x25: {  	_ =	swait.ge [sflag:s5], $0x1000  }
0x26: {  	[sflag:s5] =	ssyncset.done $0x0  }
0x27: {  	s22 =	simm.s32 $0x6;
	s21 =	sadd.s32 s30, s21;
	[sflag:s5] =	ssyncadd.s32 $0xFFFFF000  }
0x28: {  	[hbm:s21], [sflag:s10] =	dma.local [spmem:s3], $0x1000  }
0x29: {  	_ =	swait.ge [sflag:s22], $0x1000  }
0x2a: {  	s26 =	sor.u32 $0x5000, s29;
	[sflag:s22] =	ssyncset.done $0x0  }
0x2b: {  	s23 =	sadd.s32 s28, s26;
	[sflag:s22] =	ssyncadd.s32 $0xFFFFF000  }
0x2c: {  	[spmem:s8], [sflag:s11] =	dma.local [hbm:s23], $0x1000  }
0x2d: {  	_ =	swait.ge [sflag:s9], $0x1000  }
0x2e: {  	[sflag:s9] =	ssyncset.done $0x0  }
0x2f: {  	s24 =	sadd.s32 s30, s24;
	[sflag:s9] =	ssyncadd.s32 $0xFFFFF000  }
0x30: {  	[hbm:s24], [sflag:s14] =	dma.local [spmem:s4], $0x1000  }
0x31: {  	_ =	swait.ge [sflag:s13], $0x1000  }
0x32: {  	s0 =	sor.u32 $0x6000, s29;
	[sflag:s13] =	ssyncset.done $0x0  }
0x33: {  	s25 =	sadd.s32 s28, s0;
	[sflag:s13] =	ssyncadd.s32 $0xFFFFF000  }
0x34: {  	[spmem:s3], [sflag:s2] =	dma.local [hbm:s25], $0x1000  }
0x35: {  	_ =	swait.ge [sflag:s16], $0x1000  }
0x36: {  	[sflag:s16] =	ssyncset.done $0x0  }
0x37: {  	s26 =	sadd.s32 s30, s26;
	[sflag:s16] =	ssyncadd.s32 $0xFFFFF000  }
0x38: {  	[hbm:s26], [sflag:s19] =	dma.local [spmem:s8], $0x1000  }
0x39: {  	_ =	swait.ge [sflag:s17], $0x1000  }
0x3a: {  	s1 =	sor.u32 $0x7000, s29;
	[sflag:s17] =	ssyncset.done $0x0  }
0x3b: {  	s28 =	sadd.s32 s28, s1;
	[sflag:s17] =	ssyncadd.s32 $0xFFFFF000  }
0x3c: {  	[spmem:s4], [sflag:s6] =	dma.local [hbm:s28], $0x1000  }
0x3d: {  	_ =	swait.ge [sflag:s5], $0x1000  }
0x3e: {  	[sflag:s5] =	ssyncset.done $0x0  }
0x3f: {  	s29 =	sadd.s32 s30, s0;
	[sflag:s5] =	ssyncadd.s32 $0xFFFFF000  }
0x40: {  	[hbm:s29], [sflag:s10] =	dma.local [spmem:s3], $0x1000  }
0x41: {  	s0 =	ssub.s32 $0x2, s31;
	_ =	swait.ge [sflag:s9], $0x1000  }
0x42: {  	s30 =	sadd.s32 s30, s1;
	s1 =	sshrl.u32 s0, $0x1;
	[sflag:s9] =	ssyncset.done $0x0  }
0x43: {  	s0 =	ssub.s32 s0, s1;
	[sflag:s9] =	ssyncadd.s32 $0xFFFFF000  }
0x44: {  	[hbm:s30], [sflag:s14] =	dma.local [spmem:s4], $0x1000  }
0x45: {  	s0 =	smax.u32 s0, $0x1;
	_ =	swait.ge [sflag:s22], $0x1000  }
0x46: {  	p0 =	sne.s32 s0, $0x1;
	[sflag:s22] =	ssyncset.done $0x0  }
.Ltmp0:
0x47: {  	[sflag:s22] =	ssyncadd.s32 $0xFFFFF000;
	(pc) =	sbr.rel @!p0 .LBB2_2-.Ltmp0, $4  }
0x48: {  	_ =	swait.ge [sflag:s13], $0x1000  }
0x49: {  	[sflag:s13] =	ssyncset.done $0x0  }
0x4a: {  	[sflag:s13] =	ssyncadd.s32 $0xFFFFF000  }
0x4b: {  	s31 =	sadd.s32 $0xFFFFFFFF, s0;
	_ =	swait.ge [sflag:s17], $0x1000  }
.LBB2_1:
0x4c: {  	[sflag:s17] =	ssyncset.done $0x0  }
0x4d: {  	s0 =	rddreg [dreg:$0x4];
	[sflag:s17] =	ssyncadd.s32 $0xFFFFF000  }
0x4e: {  	[spmem:s3], [sflag:s2] =	dma.local [hbm:s0], $0x1000  }
0x4f: {  	s0 =	rddreg [dreg:$0x5]  }
0x50: {  	[spmem:s4], [sflag:s6] =	dma.local [hbm:s0], $0x1000  }
0x51: {  	_ =	swait.ge [sflag:s5], $0x1000  }
0x52: {  	[sflag:s5] =	ssyncset.done $0x0  }
0x53: {  	s1 =	rddreg [dreg:$0x6];
	[sflag:s5] =	ssyncadd.s32 $0xFFFFF000  }
0x54: {  	[hbm:s1], [sflag:s10] =	dma.local [spmem:s3], $0x1000  }
0x55: {  	[spmem:s8], [sflag:s11] =	dma.local [hbm:s7], $0x1000  }
0x56: {  	_ =	swait.ge [sflag:s9], $0x1000  }
0x57: {  	[sflag:s9] =	ssyncset.done $0x0  }
0x58: {  	[sflag:s9] =	ssyncadd.s32 $0xFFFFF000  }
0x59: {  	[hbm:s12], [sflag:s14] =	dma.local [spmem:s4], $0x1000  }
0x5a: {  	_ =	swait.ge [sflag:s13], $0x1000  }
0x5b: {  	[sflag:s13] =	ssyncset.done $0x0  }
0x5c: {  	[sflag:s13] =	ssyncadd.s32 $0xFFFFF000  }
0x5d: {  	[spmem:s3], [sflag:s2] =	dma.local [hbm:s15], $0x1000  }
0x5e: {  	_ =	swait.ge [sflag:s16], $0x1000  }
0x5f: {  	[sflag:s16] =	ssyncset.done $0x0  }
0x60: {  	[sflag:s16] =	ssyncadd.s32 $0xFFFFF000  }
0x61: {  	[hbm:s18], [sflag:s19] =	dma.local [spmem:s8], $0x1000  }
0x62: {  	_ =	swait.ge [sflag:s17], $0x1000  }
0x63: {  	[sflag:s17] =	ssyncset.done $0x0  }
0x64: {  	[sflag:s17] =	ssyncadd.s32 $0xFFFFF000  }
0x65: {  	[spmem:s4], [sflag:s6] =	dma.local [hbm:s20], $0x1000  }
0x66: {  	_ =	swait.ge [sflag:s5], $0x1000  }
0x67: {  	[sflag:s5] =	ssyncset.done $0x0  }
0x68: {  	[sflag:s5] =	ssyncadd.s32 $0xFFFFF000  }
0x69: {  	[hbm:s21], [sflag:s10] =	dma.local [spmem:s3], $0x1000  }
0x6a: {  	_ =	swait.ge [sflag:s22], $0x1000  }
0x6b: {  	[sflag:s22] =	ssyncset.done $0x0  }
0x6c: {  	[sflag:s22] =	ssyncadd.s32 $0xFFFFF000  }
0x6d: {  	[spmem:s8], [sflag:s11] =	dma.local [hbm:s23], $0x1000  }
0x6e: {  	_ =	swait.ge [sflag:s9], $0x1000  }
0x6f: {  	[sflag:s9] =	ssyncset.done $0x0  }
0x70: {  	[sflag:s9] =	ssyncadd.s32 $0xFFFFF000  }
0x71: {  	[hbm:s24], [sflag:s14] =	dma.local [spmem:s4], $0x1000  }
0x72: {  	_ =	swait.ge [sflag:s13], $0x1000  }
0x73: {  	[sflag:s13] =	ssyncset.done $0x0  }
0x74: {  	[sflag:s13] =	ssyncadd.s32 $0xFFFFF000  }
0x75: {  	[spmem:s3], [sflag:s2] =	dma.local [hbm:s25], $0x1000  }
0x76: {  	_ =	swait.ge [sflag:s16], $0x1000  }
0x77: {  	[sflag:s16] =	ssyncset.done $0x0  }
0x78: {  	[sflag:s16] =	ssyncadd.s32 $0xFFFFF000  }
0x79: {  	[hbm:s26], [sflag:s19] =	dma.local [spmem:s8], $0x1000  }
0x7a: {  	_ =	swait.ge [sflag:s17], $0x1000  }
0x7b: {  	[sflag:s17] =	ssyncset.done $0x0  }
0x7c: {  	[sflag:s17] =	ssyncadd.s32 $0xFFFFF000  }
0x7d: {  	[spmem:s4], [sflag:s6] =	dma.local [hbm:s28], $0x1000  }
0x7e: {  	_ =	swait.ge [sflag:s5], $0x1000  }
0x7f: {  	[sflag:s5] =	ssyncset.done $0x0  }
0x80: {  	[sflag:s5] =	ssyncadd.s32 $0xFFFFF000  }
0x81: {  	[hbm:s29], [sflag:s10] =	dma.local [spmem:s3], $0x1000  }
0x82: {  	_ =	swait.ge [sflag:s9], $0x1000  }
0x83: {  	[sflag:s9] =	ssyncset.done $0x0  }
0x84: {  	[sflag:s9] =	ssyncadd.s32 $0xFFFFF000  }
0x85: {  	[hbm:s30], [sflag:s14] =	dma.local [spmem:s4], $0x1000  }
0x86: {  	_ =	swait.ge [sflag:s22], $0x1000  }
0x87: {  	p0 =	sne.s32 s31, $0x1;
	[sflag:s22] =	ssyncset.done $0x0  }
.Ltmp1:
0x88: {  	[sflag:s22] =	ssyncadd.s32 $0xFFFFF000;
	(pc) =	sbr.rel @p0 .LBB2_1-.Ltmp1, $4  }
0x89: {  	_ =	swait.ge [sflag:s13], $0x1000  }
0x8a: {  	[sflag:s13] =	ssyncset.done $0x0  }
0x8b: {  	[sflag:s13] =	ssyncadd.s32 $0xFFFFF000  }
0x8c: {  	s31 =	sadd.s32 $0xFFFFFFFF, s31;
	_ =	swait.ge [sflag:s17], $0x1000  }
.LBB2_2:
0x8d: {  	[sflag:s17] =	ssyncset.done $0x0  }
0x8e: {  	[sflag:s17] =	ssyncadd.s32 $0xFFFFF000  }
0x8f: {  	_ =	sfence.sel $0x180000  }
0x90: {  	[bflag:$0x0] =	sbarrier.arrive $0xFFFF  }
0x91: {  	_ =	strace $0x90000047  }
0x92: {  	s0 =	stileid.u32;
	[bflag:$0x2] =	sbarrier.arrive $0xFFFF  }
0x93: {  	p0 =	sne.s32 s0, $0x0;
	s0 =	rddreg [dreg:$0x3]  }
0x94: {  	s0 =	sadd.s32 @!p0 $0x100000, s0  }
0x95: {  	[sflag:s0] =	ssyncadd.tile.s32 @!p0 $0x1;
	_ =	shalt  }
.Lfunc_end2:
_tile_overlayer_lowered:
.L_overlay_start_2:
0x96: {  	(tag) =	ssettag $0x2  }
0x97: {  	s0 =	rddreg [dreg:$0x0];
	s2 =	stileid.u32  }
0x98: {  	s1 =	rddreg [dreg:$0x1];
	p0 =	sne.s32 s2, $0x0  }
0x99: {  	s3 =	rddreg [dreg:$0x2];
	[bflag:$0x3] =	sbarrier.arrive $0xFFFF;
	s2 =	simm.s32 @!p0 $0x1C07  }
0x9a: {  	[timem:s3], [sflag:s2] =	dma.local @!p0 [hbm:s0], s1  }
0x9b: {  	s0 =	simm.s32 @!p0 $0x7  }
0x9c: {  	_ =	swait.ge @!p0 [sflag:s0], s1  }
0x9d: {  	s1 =	ssub.s32 @!p0 $0x0, s1;
	[sflag:s0] =	ssyncset.done @!p0 $0x0  }
0x9e: {  	[sflag:s0] =	ssyncadd.s32 @!p0 s1  }
0x9f: {  	[bflag:$0x3] =	sbarrier.arrive $0xFFFF  }
0xa0: {  	_ =	shalt  }

</sc_bundles>
